<compile_context>
chip_gen: v7x
topology: tpu7x:2x2x1
jax: 0.10.2.dev20260603
libtpu: 0.0.44.dev20260713+nightly
codegen_flags: <defaults>
</compile_context>

<pallas_src>
import jax
import jax.numpy as jnp
from jax.experimental import pallas as pl

_LB = 128


def _body(v_ref, layout_ref, mask_ref):
    oc = v_ref[0::3, :]
    cc = v_ref[1::3, :]

    m_agent = oc == 10
    m_lava = cc == 4
    m_sword = cc == 3
    m_shield = cc == 2
    m_monster = cc == 1

    lay = jnp.where(m_agent, 1, oc)
    lay = jnp.where(m_lava, 9, lay)
    lay = jnp.where(m_sword, 11, lay)
    lay = jnp.where(m_shield, 12, lay)
    lay = jnp.where(m_monster, 13, lay)
    layout_ref[...] = lay.astype(jnp.uint8)

    pos = jax.lax.broadcasted_iota(jnp.int32, (1024, _LB), 0)
    combo = (jnp.where(m_agent, pos, 0)
             + jnp.where(m_sword, oc << 10, 0)
             + jnp.where(m_shield, oc << 14, 0))
    tot = jnp.sum(combo, axis=0, keepdims=True)
    x_agent = (2 * (((tot >> 10) & 15) == 11).astype(jnp.int32)
               + (((tot >> 14) & 15) == 12).astype(jnp.int32))
    target = 4 * (tot & 1023) + x_agent

    r_d = jax.lax.broadcasted_iota(jnp.int32, (_LB, _LB), 0)
    c_d = jax.lax.broadcasted_iota(jnp.int32, (_LB, _LB), 1)
    diag = jnp.where(r_d == c_d, jnp.broadcast_to(target, (_LB, _LB)), 0)
    t_col = jnp.sum(diag, axis=1, keepdims=True)

    lane_j = jax.lax.broadcasted_iota(jnp.int32, (_LB, 4096), 1)
    mask_ref[...] = (lane_j == t_col).astype(jnp.uint8)


def kernel(obs):
    B, H, W, C = obs.shape
    xt = obs.transpose(1, 2, 3, 0).reshape(H * W * C, B)

    grid = B // _LB
    lay_t, mask_u8 = pl.pallas_call(
        _body,
        grid=(grid,),
        in_specs=[pl.BlockSpec((H * W * C, _LB), lambda g: (0, g))],
        out_specs=[
            pl.BlockSpec((H * W, _LB), lambda g: (0, g)),
            pl.BlockSpec((_LB, H * W * 4), lambda g: (g, 0)),
        ],
        out_shape=[
            jax.ShapeDtypeStruct((H * W, B), jnp.uint8),
            jax.ShapeDtypeStruct((B, H * W * 4), jnp.uint8),
        ],
    )(xt)
    layout = lay_t.reshape(H, W, 1, B).transpose(3, 0, 1, 2)
    return layout, mask_u8.astype(jnp.bool_)

# --- scband reference (transcript-rebuilt; emitter-appended) ---
"""Pipeline reference for scband-encoder-mini-grid-ssm-24567212933888 (READ-ONLY COPY).

The authoritative reference and input builder live on the scoring server;
editing this copy changes nothing except your own understanding.
"""

import jax, jax.numpy as jnp
import numpy as np

# Constants matching the custom minigrid fork used by Encoder_MiniGrid_SSM
OBJ = {'unseen': 0, 'empty': 1, 'wall': 2, 'lava': 9, 'agent': 10, 'sword': 11, 'shield': 12, 'monster': 13}
COL = {'red': 0, 'green': 1, 'blue': 2, 'purple': 3, 'yellow': 4, 'grey': 5}


def setup_inputs() -> dict:
    # The torch module asserts exactly one purple / blue / green colored cell per
    # example, so we construct a structurally valid observation batch.
    B, H, W = 4096, 32, 32
    rng = np.random.default_rng(0)
    obs = np.zeros((B, H, W, 3), dtype=np.int64)
    obs[..., 0] = OBJ['empty']
    obs[..., 1] = COL['grey']  # background color must not be green/blue/purple/yellow
    # border walls
    obs[:, 0, :, 0] = OBJ['wall']
    obs[:, -1, :, 0] = OBJ['wall']
    obs[:, :, 0, 0] = OBJ['wall']
    obs[:, :, -1, 0] = OBJ['wall']
    # pick 5 distinct interior cells per example: sword, shield, monster, lava, agent
    n_int = (H - 2) * (W - 2)
    order = np.argsort(rng.random((B, n_int)), axis=1)[:, :5]
    rows = order // (W - 2) + 1
    cols = order % (W - 2) + 1
    b = np.arange(B)
    # purple-colored cell: sometimes contains the sword object, sometimes not
    has_sword = rng.random(B) < 0.5
    obs[b, rows[:, 0], cols[:, 0], 0] = np.where(has_sword, OBJ['sword'], OBJ['empty'])
    obs[b, rows[:, 0], cols[:, 0], 1] = COL['purple']
    # blue-colored cell: sometimes contains the shield object
    has_shield = rng.random(B) < 0.5
    obs[b, rows[:, 1], cols[:, 1], 0] = np.where(has_shield, OBJ['shield'], OBJ['empty'])
    obs[b, rows[:, 1], cols[:, 1], 1] = COL['blue']
    # green-colored cell: monster
    obs[b, rows[:, 2], cols[:, 2], 0] = OBJ['monster']
    obs[b, rows[:, 2], cols[:, 2], 1] = COL['green']
    # yellow-colored cell: lava
    obs[b, rows[:, 3], cols[:, 3], 0] = OBJ['lava']
    obs[b, rows[:, 3], cols[:, 3], 1] = COL['yellow']
    # agent cell
    obs[b, rows[:, 4], cols[:, 4], 0] = OBJ['agent']
    obs[b, rows[:, 4], cols[:, 4], 1] = COL['red']
    return {"obs": jnp.asarray(obs)}


def reference(obs):
    if obs.ndim == 3:
        obs = obs[None, :, :, :]
    B, H, W, _ = obs.shape
    oc = obs[:, :, :, 0]
    cc = obs[:, :, :, 1]
    mask_lava = cc == COL['yellow']
    mask_sword = cc == COL['purple']
    mask_shield = cc == COL['blue']
    mask_monster = cc == COL['green']
    mask_agent = oc == OBJ['agent']
    # exactly one sword/shield-colored cell per example (asserted in torch), so
    # masked-select per example == masked sum per example
    sword_obj = jnp.sum(jnp.where(mask_sword, oc, 0), axis=(1, 2))
    shield_obj = jnp.sum(jnp.where(mask_shield, oc, 0), axis=(1, 2))
    x_agent = 2 * (sword_obj == OBJ['sword']).astype(jnp.int64) + (shield_obj == OBJ['shield']).astype(jnp.int64)
    # sequential overwrites, same order as the torch forward
    layout = oc
    layout = jnp.where(mask_agent, OBJ['empty'], layout)
    layout = jnp.where(mask_lava, OBJ['lava'], layout)
    layout = jnp.where(mask_sword, OBJ['sword'], layout)
    layout = jnp.where(mask_shield, OBJ['shield'], layout)
    layout = jnp.where(mask_monster, OBJ['monster'], layout)
    layout = layout[:, :, :, None].astype(jnp.uint8)
    onehot = x_agent[:, None] == jnp.arange(4, dtype=jnp.int64)[None, :]  # [B,4]
    mask_agent_out = (onehot[:, None, None, :] & mask_agent[:, :, :, None]).reshape(B, -1)
    return (layout, mask_agent_out)

if __name__ == "__main__":
    import jax
    _d = setup_inputs()
    print(jax.jit(kernel)(*tuple(_d.values())))

</pallas_src>

<mosaic_0001>
module attributes {stable_mosaic.version = 14 : i64} {
  func.func @_body(%arg0: i32, %arg1: memref<3072x128xi32, #tpu.memory_space<vmem>>, %arg2: memref<1024x128xi8, #tpu.memory_space<vmem>>, %arg3: memref<128x4096xi8, #tpu.memory_space<vmem>>) attributes {dimension_semantics = [#tpu.dimension_semantics<arbitrary>], iteration_bounds = array<i64: 32>, scalar_prefetch = 0 : i64, scratch_operands = 0 : i64, tpu.core_type = #tpu.core_type<tc>, window_params = [{transform_indices = @transform_0, window_bounds = array<i64: 3072, 128>}, {transform_indices = @transform_1, window_bounds = array<i64: 1024, 128>}, {transform_indices = @transform_2, window_bounds = array<i64: 128, 4096>}]} {
    %get3A = arith.constant 0 : index
    %get3A_0 = arith.constant 0 : index
    %get3A_1 = tpu.strided_load %arg1[%get3A, %get3A_0] {strides = array<i32: 3, 1>} : memref<3072x128xi32, #tpu.memory_space<vmem>>, vector<1024x128xi32>
    %get3A_2 = arith.constant 1 : index
    %get3A_3 = arith.constant 0 : index
    %get3A_4 = tpu.strided_load %arg1[%get3A_2, %get3A_3] {strides = array<i32: 3, 1>} : memref<3072x128xi32, #tpu.memory_space<vmem>>, vector<1024x128xi32>
    %eq3A = arith.constant 10 : i32
    %eq3A_5 = vector.broadcast %eq3A : i32 to vector<1024x128xi32>
    %eq3A_6 = arith.cmpi eq, %get3A_1, %eq3A_5 : vector<1024x128xi32>
    %eq3A_7 = arith.constant 4 : i32
    %eq3A_8 = vector.broadcast %eq3A_7 : i32 to vector<1024x128xi32>
    %eq3A_9 = arith.cmpi eq, %get3A_4, %eq3A_8 : vector<1024x128xi32>
    %eq3A_10 = arith.constant 3 : i32
    %eq3A_11 = vector.broadcast %eq3A_10 : i32 to vector<1024x128xi32>
    %eq3A_12 = arith.cmpi eq, %get3A_4, %eq3A_11 : vector<1024x128xi32>
    %eq3A_13 = arith.constant 2 : i32
    %eq3A_14 = vector.broadcast %eq3A_13 : i32 to vector<1024x128xi32>
    %eq3A_15 = arith.cmpi eq, %get3A_4, %eq3A_14 : vector<1024x128xi32>
    %eq3A_16 = arith.constant 1 : i32
    %eq3A_17 = vector.broadcast %eq3A_16 : i32 to vector<1024x128xi32>
    %eq3A_18 = arith.cmpi eq, %get3A_4, %eq3A_17 : vector<1024x128xi32>
    %jit3A = arith.constant 1 : i32
    %broadcast_in_dim3A = vector.broadcast %jit3A : i32 to vector<1024x128xi32>
    %select_n3A = arith.select %eq3A_6, %broadcast_in_dim3A, %get3A_1 : vector<1024x128xi1>, vector<1024x128xi32>
    %jit3A_19 = arith.constant 9 : i32
    %broadcast_in_dim3A_20 = vector.broadcast %jit3A_19 : i32 to vector<1024x128xi32>
    %select_n3A_21 = arith.select %eq3A_9, %broadcast_in_dim3A_20, %select_n3A : vector<1024x128xi1>, vector<1024x128xi32>
    %jit3A_22 = arith.constant 11 : i32
    %broadcast_in_dim3A_23 = vector.broadcast %jit3A_22 : i32 to vector<1024x128xi32>
    %select_n3A_24 = arith.select %eq3A_12, %broadcast_in_dim3A_23, %select_n3A_21 : vector<1024x128xi1>, vector<1024x128xi32>
    %jit3A_25 = arith.constant 12 : i32
    %broadcast_in_dim3A_26 = vector.broadcast %jit3A_25 : i32 to vector<1024x128xi32>
    %select_n3A_27 = arith.select %eq3A_15, %broadcast_in_dim3A_26, %select_n3A_24 : vector<1024x128xi1>, vector<1024x128xi32>
    %jit3A_28 = arith.constant 13 : i32
    %broadcast_in_dim3A_29 = vector.broadcast %jit3A_28 : i32 to vector<1024x128xi32>
    %select_n3A_30 = arith.select %eq3A_18, %broadcast_in_dim3A_29, %select_n3A_27 : vector<1024x128xi1>, vector<1024x128xi32>
    %convert_element_type3A = arith.trunci %select_n3A_30 : vector<1024x128xi32> to vector<1024x128xi8>
    %swap3A = arith.constant 0 : index
    %swap3A_31 = arith.constant 0 : index
    %swap3A_32 = vector.load %arg2[%swap3A, %swap3A_31] : memref<1024x128xi8, #tpu.memory_space<vmem>>, vector<1024x128xi8>
    tpu.vector_store %arg2[%swap3A, %swap3A_31], %convert_element_type3A {strides = array<i32>} : memref<1024x128xi8, #tpu.memory_space<vmem>>, vector<1024x128xi8>,
    %iota3A = tpu.iota {dimensions = array<i32: 0>} : vector<1024x128xi32>
    %jit3A_33 = arith.constant 0 : i32
    %broadcast_in_dim3A_34 = vector.broadcast %jit3A_33 : i32 to vector<1024x128xi32>
    %select_n3A_35 = arith.select %eq3A_6, %iota3A, %broadcast_in_dim3A_34 : vector<1024x128xi1>, vector<1024x128xi32>
    %shift_left3A = arith.constant 10 : i32
    %shift_left3A_36 = vector.broadcast %shift_left3A : i32 to vector<1024x128xi32>
    %shift_left3A_37 = arith.shli %get3A_1, %shift_left3A_36 : vector<1024x128xi32>
    %jit3A_38 = arith.constant 0 : i32
    %broadcast_in_dim3A_39 = vector.broadcast %jit3A_38 : i32 to vector<1024x128xi32>
    %select_n3A_40 = arith.select %eq3A_12, %shift_left3A_37, %broadcast_in_dim3A_39 : vector<1024x128xi1>, vector<1024x128xi32>
    %add3A = arith.addi %select_n3A_35, %select_n3A_40 : vector<1024x128xi32>
    %shift_left3A_41 = arith.constant 14 : i32
    %shift_left3A_42 = vector.broadcast %shift_left3A_41 : i32 to vector<1024x128xi32>
    %shift_left3A_43 = arith.shli %get3A_1, %shift_left3A_42 : vector<1024x128xi32>
    %jit3A_44 = arith.constant 0 : i32
    %broadcast_in_dim3A_45 = vector.broadcast %jit3A_44 : i32 to vector<1024x128xi32>
    %select_n3A_46 = arith.select %eq3A_15, %shift_left3A_43, %broadcast_in_dim3A_45 : vector<1024x128xi1>, vector<1024x128xi32>
    %add3A_47 = arith.addi %add3A, %select_n3A_46 : vector<1024x128xi32>
    %reduce_sum3A = arith.constant dense<0> : vector<128xi32>
    %reduce_sum3A_48 = vector.multi_reduction <add>, %add3A_47, %reduce_sum3A [0] : vector<1024x128xi32> to vector<128xi32>
    %broadcast_in_dim3A_49 = vector.shape_cast %reduce_sum3A_48 : vector<128xi32> to vector<1x128xi32>
    %shift_right_arithmetic3A = arith.constant 10 : i32
    %shift_right_arithmetic3A_50 = vector.broadcast %shift_right_arithmetic3A : i32 to vector<1x128xi32>
    %shift_right_arithmetic3A_51 = arith.shrsi %broadcast_in_dim3A_49, %shift_right_arithmetic3A_50 : vector<1x128xi32>
    %and3A = arith.constant 15 : i32
    %and3A_52 = vector.broadcast %and3A : i32 to vector<1x128xi32>
    %and3A_53 = arith.andi %shift_right_arithmetic3A_51, %and3A_52 : vector<1x128xi32>
    %eq3A_54 = arith.constant 11 : i32
    %eq3A_55 = vector.broadcast %eq3A_54 : i32 to vector<1x128xi32>
    %eq3A_56 = arith.cmpi eq, %and3A_53, %eq3A_55 : vector<1x128xi32>
    %convert_element_type3A_57 = arith.extui %eq3A_56 : vector<1x128xi1> to vector<1x128xi32>
    %mul3A = arith.constant 2 : i32
    %mul3A_58 = vector.broadcast %mul3A : i32 to vector<1x128xi32>
    %mul3A_59 = arith.muli %mul3A_58, %convert_element_type3A_57 : vector<1x128xi32>
    %shift_right_arithmetic3A_60 = arith.constant 14 : i32
    %shift_right_arithmetic3A_61 = vector.broadcast %shift_right_arithmetic3A_60 : i32 to vector<1x128xi32>
    %shift_right_arithmetic3A_62 = arith.shrsi %broadcast_in_dim3A_49, %shift_right_arithmetic3A_61 : vector<1x128xi32>
    %and3A_63 = arith.constant 15 : i32
    %and3A_64 = vector.broadcast %and3A_63 : i32 to vector<1x128xi32>
    %and3A_65 = arith.andi %shift_right_arithmetic3A_62, %and3A_64 : vector<1x128xi32>
    %eq3A_66 = arith.constant 12 : i32
    %eq3A_67 = vector.broadcast %eq3A_66 : i32 to vector<1x128xi32>
    %eq3A_68 = arith.cmpi eq, %and3A_65, %eq3A_67 : vector<1x128xi32>
    %convert_element_type3A_69 = arith.extui %eq3A_68 : vector<1x128xi1> to vector<1x128xi32>
    %add3A_70 = arith.addi %mul3A_59, %convert_element_type3A_69 : vector<1x128xi32>
    %and3A_71 = arith.constant 1023 : i32
    %and3A_72 = vector.broadcast %and3A_71 : i32 to vector<1x128xi32>
    %and3A_73 = arith.andi %broadcast_in_dim3A_49, %and3A_72 : vector<1x128xi32>
    %mul3A_74 = arith.constant 4 : i32
    %mul3A_75 = vector.broadcast %mul3A_74 : i32 to vector<1x128xi32>
    %mul3A_76 = arith.muli %mul3A_75, %and3A_73 : vector<1x128xi32>
    %add3A_77 = arith.addi %mul3A_76, %add3A_70 : vector<1x128xi32>
    %iota3A_78 = tpu.iota {dimensions = array<i32: 0>} : vector<128x128xi32>
    %iota3A_79 = tpu.iota {dimensions = array<i32: 1>} : vector<128x128xi32>
    %eq3A_80 = arith.cmpi eq, %iota3A_78, %iota3A_79 : vector<128x128xi32>
    %broadcast_in_dim3A_81 = vector.shape_cast %add3A_77 : vector<1x128xi32> to vector<1x128xi32>
    %broadcast_in_dim3A_82 = vector.broadcast %broadcast_in_dim3A_81 : vector<1x128xi32> to vector<128x128xi32>
    %jit3A_83 = arith.constant 0 : i32
    %broadcast_in_dim3A_84 = vector.broadcast %jit3A_83 : i32 to vector<128x128xi32>
    %select_n3A_85 = arith.select %eq3A_80, %broadcast_in_dim3A_82, %broadcast_in_dim3A_84 : vector<128x128xi1>, vector<128x128xi32>
    %reduce_sum3A_86 = arith.constant dense<0> : vector<128xi32>
    %reduce_sum3A_87 = vector.multi_reduction <add>, %select_n3A_85, %reduce_sum3A_86 [1] : vector<128x128xi32> to vector<128xi32>
    %broadcast_in_dim3A_88 = vector.shape_cast %reduce_sum3A_87 : vector<128xi32> to vector<128x1xi32>
    %iota3A_89 = tpu.iota {dimensions = array<i32: 1>} : vector<128x4096xi32>
    %eq3A_90 = vector.broadcast %broadcast_in_dim3A_88 : vector<128x1xi32> to vector<128x4096xi32>
    %eq3A_91 = arith.cmpi eq, %iota3A_89, %eq3A_90 : vector<128x4096xi32>
    %convert_element_type3A_92 = arith.extui %eq3A_91 : vector<128x4096xi1> to vector<128x4096xi8>
    %swap3A_93 = arith.constant 0 : index
    %swap3A_94 = arith.constant 0 : index
    %swap3A_95 = vector.load %arg3[%swap3A_93, %swap3A_94] : memref<128x4096xi8, #tpu.memory_space<vmem>>, vector<128x4096xi8>
    tpu.vector_store %arg3[%swap3A_93, %swap3A_94], %convert_element_type3A_92 {strides = array<i32>} : memref<128x4096xi8, #tpu.memory_space<vmem>>, vector<128x4096xi8>,
    return
  }
  func.func @transform_0(%arg0: i32) -> (i32, i32) {
    %c0_i32 = arith.constant 0 : i32
    %c0_i32_0 = arith.constant 0 : i32
    return %c0_i32, %arg0 : i32, i32
  }
  func.func @transform_1(%arg0: i32) -> (i32, i32) {
    %c0_i32 = arith.constant 0 : i32
    %c0_i32_0 = arith.constant 0 : i32
    return %c0_i32, %arg0 : i32, i32
  }
  func.func @transform_2(%arg0: i32) -> (i32, i32) {
    %c0_i32 = arith.constant 0 : i32
    %c0_i32_0 = arith.constant 0 : i32
    return %arg0, %c0_i32 : i32, i32
  }
}

</mosaic_0001>

<sc_bundles>
// kernel: sparse-core-data-format-call.cloned.1.call-start
scs
called_computation_lowered:
.L_overlay_start_0:
0x0: {  	s2 =	sld [smem:$0x3FD9]  }
0x1: {  	s3 =	sld [smem:$0x3FFE];
	_ =	sdelay $0x1  }
0x2: {  	s1 =	srdreg.scid  }
0x3: {  	s0 =	sand.u32 $0x1, s1  }
0x4: {  	s18 =	sshll.u32 s0, $0xA;
	s2 =	sadd.s32 s3, s2  }
0x5: {  	s2 =	sadd.s32 s2, s18  }
0x6: {  	[smem:$0x3FC7] =	sst s2  }
0x7: {  	_ = 	snop  }
0x8: {  	s2 =	sld [smem:$0x3FC9];
	(tm) =	ssettm $0x1  }
0x9: {  	s19 =	sld [smem:$0x3FFB];
	_ =	sdelay $0x3  }
0xa: {  	_ =	strace s19  }
0xb: {  	s3 =	sld [smem:$0x3FFC];
	_ =	sdelay $0x3  }
0xc: {  	_ =	strace s3  }
0xd: {  	s3 =	sld [smem:$0x3FFD];
	_ =	sdelay $0x3  }
0xe: {  	_ =	strace s3  }
0xf: {  	_ =	strace $0x8FFFFFFF  }
0x10: {  	s20 =	sld [smem:$0x3FDB];
	_ =	sdelay $0x1  }
0x11: {  	s4 =	simm.s32 $_scs_section_size  }
0x12: {  	s5 =	simm.s32 $_size__tile_overlayer_lowered;
	s6 =	simm.s32 $_tile_overlayer_lowered  }
0x13: {  	s23 =	simm.s32 $0x1BFF;
	s22 =	sshll.u32 s6, $0x1;
	s3 =	sadd.s32 s4, s20  }
0x14: {  	s7 =	simm.s32 $0x0;
	s21 =	sshll.u32 s5, $0x1;
	s5 =	sadd.s32 s22, s3  }
0x15: {  	[timem:s7], [sflag:s23] =	dma.local [hbm:s5], s21  }
0x16: {  	_ =	swait.ge [sflag:s23], s21  }
0x17: {  	s4 =	ssub.s32 $0x0, s21;
	[sflag:s23] =	ssyncset.done $0x0  }
0x18: {  	[sflag:s23] =	ssyncadd.s32 s4;
	_ =	sdelay $0x1  }
0x19: {  	s24 =	simm.s32 $0x1B8B  }
0x1a: {  	_ =	swait.ge [sflag:s24], $0x1  }
0x1b: {  	[sflag:s24] =	ssyncset.done $0x0  }
0x1c: {  	s26 =	simm.s32 $0x1B8E;
	s25 =	sld [smem:$0x3FFE];
	[sflag:s24] =	ssyncadd.s32 $0xFFFFFFFF  }
0x1d: {  	s27 =	simm.s32 $execute0_lowered;
	[smem:$0x3FD2] =	sst s26  }
0x1e: {  	s5 =	sshll.u32 s27, $0x1;
	_ =	strace $0x80000046;
	[dreg:$0x1] =	wrdreg $0xFFFFFFFF  }
0x1f: {  	s28 =	simm.s32 $_size_execute0_lowered;
	s3 =	sadd.s32 s3, s5;
	[dreg:$0x0] =	wrdreg $0x0  }
0x20: {  	s5 =	sshll.u32 s28, $0x1;
	[dreg:$0x2] =	wrdreg s3  }
0x21: {  	[dreg:$0x3] =	wrdreg s5  }
0x22: {  	[dreg:$0x4] =	wrdreg $0xC0  }
0x23: {  	_ =	task [dreg:s7], $0x5FFFF  }
0x24: {  	[dreg:$0x1] =	wrdreg $0xFFFFFFFF  }
0x25: {  	[dreg:$0x0] =	wrdreg $0x60  }
0x26: {  	[dreg:$0x2] =	wrdreg s2  }
0x27: {  	[dreg:$0x3] =	wrdreg s25  }
0x28: {  	[dreg:$0x4] =	wrdreg $0x9  }
0x29: {  	_ =	task.clear_ibuf [dreg:s7], $0x5FFFF;
	_ =	strace $0x90000046  }
0x2a: {  	s29 =	simm.s32 $0x9;
	_ =	strace $0x80000048  }
0x2b: {  	_ =	swait.ge [sflag:s29], $0x1  }
0x2c: {  	[sflag:s29] =	ssyncadd.s32 $0xFFFFFFFF  }
0x2d: {  	_ =	strace $0x90000048  }
0x2e: {  	_ =	sfence  }
0x2f: {  	s30 =	sld [smem:$0x0];
	_ =	sdelay $0x2  }
0x30: {  	s31 =	sshll.u32 s1, $0xD;
	s1 =	sshrl.u32 s1, $0x2  }
0x31: {  	s3 =	sand.u32 $0x4000, s31;
	s1 =	sadd.s32 s1, s30  }
0x32: {  	s0 =	sor.u32 s3, s0;
	s1 =	sshll.u32 s1, $0x11  }
0x33: {  	s0 =	sor.u32 s1, s0  }
0x34: {  	s0 =	sadd.s32 $0x8F2B, s0  }
0x35: {  	[sflag:s0] =	ssyncadd.remote.s32 $0x1  }
0x36: {  	_ =	sfence.sel $0xFFFF  }
0x37: {  	[dreg:$0x0] =	wrdreg $0xFFFFFFFF;
	(pc) =	sbr.abs _section_cstart, $3  }
0x38: {  	[dreg:$0x1] =	wrdreg $0xFFFFFFFF  }
0x39: {  	_ =	task.clear_ibuf [dreg:s7], $0x2FFFF;
	_ =	strace $0x9FFFFFFF  }
0x3a: {  	(tm) =	ssettm $0x7FFFFFFF  }
0x3b: {  	_ =	shalt  }
tec
execute0_lowered:
.L_overlay_start_1:
0x0: {  	(tag) =	ssettag $0x1  }
0x1: {  	s0 =	stileid.u32  }
0x2: {  	s1 =	srdreg.scid;
	s8 =	rddreg [dreg:$0x1];
	s9 =	simm.s32 $0x2  }
0x3: {  	s19 =	simm.s32 $0x0;
	s12 =	simm.s32 $0x4000;
	s13 =	simm.s32 $0x0  }
0x4: {  	s2 =	sshll.u32 s0, $0x2;
	s3 =	sshll.u32 s0, $0x4;
	s4 =	sshll.u32 s1, $0x8  }
0x5: {  	s20 =	simm.s32 $0x0;
	s1 =	sand.u32 $0x1C, s2;
	s30 =	sor.u32 s3, s4  }
0x6: {  	s22 =	simm.s32 $0x0;
	s2 =	sand.u32 $0x180, s30;
	s31 =	ssub.s32 $0x20, s1  }
0x7: {  	s21 =	simm.s32 $0x0;
	s5 =	sand.u32 $0x1C, s31;
	s6 =	ssub.s32 $0x1000, s2  }
0x8: {  	p0 =	sne.s32 s5, $0x0;
	s5 =	simm.s32 $0x1;
	s7 =	sand.u32 $0x180, s6  }
0x9: {  	s5 =	simm.s32 @!p0 $0x0;
	p0 =	sne.s32 s7, $0x0;
	s7 =	simm.s32 $0x1  }
0xa: {  	s4 =	sshrl.u32 s31, $0x5;
	s6 =	sshrl.u32 s6, $0x9;
	s7 =	simm.s32 @!p0 $0x0  }
0xb: {  	s15 =	simm.s32 $0x0;
	s5 =	sadd.s32 s5, s4;
	s6 =	sadd.s32 s7, s6  }
0xc: {  	s16 =	simm.s32 $0x0;
	s3 =	rddreg [dreg:$0x0];
	s6 =	smul.u32 s6, s5  }
.Ltmp0:
0xd: {  	s18 =	simm.s32 $0x0;
	s10 =	sadd.s32 $0x24000, s3;
	(pc) =	sbr.rel .LBB1_1-.Ltmp0, $4  }
0xe: {  	s17 =	smov.u32 s1;
	s14 =	smov.u32 s2;
	s4 =	rddreg [dreg:$0x2]  }
0xf: {  	_ =	strace $0x80000047;
	s5 =	simm.s32 $0x1;
	s6 =	smul.u32 $0x3, s6  }
0x10: {  	s7 =	sadd.s32 $0x600, s8;
	s8 =	sadd.s32 $0xC000, s3;
	[sflag:s5] =	ssyncpa.u1 $0x0  }
0x11: {  	[sflag:s9] =	ssyncpa.u1 $0x0;
	s9 =	sadd.s32 $0x18000, s3;
	s11 =	sadd.s32 $0x1, s6  }
.LBB1_7:
0x12: {  	s23 =	sadd.s32 $0x200, s14  }
0x13: {  	s19 =	sadd.s32 $0x20, s15;
	s24 =	smov.u32 s15;
	p1 =	sgt.s32 s23, $0xFFF  }
0x14: {  	s24 =	smov.u32 @p1 s19  }
0x15: {  	s19 =	simm.s32 $0x1;
	p2 =	sgt.s32 s24, $0x1F  }
0x16: {  	s19 =	simm.s32 @!p2 $0x0  }
0x17: {  	s25 =	sadd.s32 s19, s16  }
0x18: {  	s26 =	smov.u32 s17;
	s19 =	sadd.s32 $0x20, s17;
	p3 =	sgt.s32 s25, $0x2  }
0x19: {  	p0 =	slt.u32 s18, $0x2;
	s26 =	smov.u32 @p3 s19  }
0x1a: {  	s20 =	smov.u32 s15;
	s23 =	smov.u32 @p1 s2;
	p1 =	sgt.s32 s26, $0x1F  }
0x1b: {  	s27 =	simm.s32 @!p0 $0x2;
	s26 =	smov.u32 @p1 s1;
	p1 =	sne.s32 s18, s11  }
.Ltmp1:
0x1c: {  	s22 =	smov.u32 s16;
	_ =	swait.ge @!p0 [sflag:s27], $0x4000;
	(pc) =	sbr.rel @!p1 .LBB1_8-.Ltmp1, $4  }
0x1d: {  	s21 =	smov.u32 s17;
	[sflag:s27] =	ssyncset.done @!p0 $0x0;
	s24 =	simm.s32 @p2 $0x0  }
0x1e: {  	s13 =	sadd.s32 $0x4000, s13;
	[sflag:s27] =	ssyncadd.s32 @!p0 $0xFFFFC000;
	s15 =	smov.u32 s24  }
0x1f: {  	s25 =	simm.s32 @p3 $0x0;
	s19 =	smov.u32 s14;
	s14 =	smov.u32 s23  }
0x20: {  	s16 =	smov.u32 s25;
	s18 =	sadd.s32 $0x1, s18;
	s17 =	smov.u32 s26  }
.LBB1_1:
0x21: {  	p0 =	sge.u32 s18, s6  }
0x22: {  	s23 =	sxor.u32 @!p0 $0xFFFFFFFF, s18;
	s24 =	sand.u32 @!p0 $0x78, s14  }
0x23: {  	s25 =	sshll.u32 @!p0 s15, $0xC;
	s26 =	sshll.u32 @!p0 s14, $0x3;
	s27 =	sshll.u32 @!p0 s15, $0x7  }
0x24: {  	s28 =	smul.u32 @!p0 $0xC000, s17;
	s29 =	sand.u32 @!p0 $0x7, s14;
	s25 =	sand.u32 @!p0 $0x18000, s25  }
0x25: {  	s30 =	simm.s32 @!p0 $0x8000;
	s27 =	sand.u32 @!p0 $0x380, s27;
	s25 =	sadd.s32 @!p0 s25, s26  }
0x26: {  	s26 =	sand.u32 @!p0 $0xC00, s26;
	s24 =	sor.u32 @!p0 s27, s24;
	s27 =	sshll.u32 @!p0 s16, $0xE  }
0x27: {  	s24 =	sor.u32 @!p0 s26, s24;
	s25 =	sshrl.u32 @!p0 s25, $0x3;
	s26 =	sadd.s32 @!p0 s28, s27  }
0x28: {  	s23 =	sshll.u32 @!p0 s23, $0xE;
	s25 =	sand.u32 @!p0 $0x3E00, s25;
	s26 =	sadd.s32 @!p0 s3, s26  }
0x29: {  	s29 =	sshll.u32 @!p0 s29, $0x12;
	s24 =	sshrl.u32 @!p0 s24, $0x3;
	s26 =	sadd.s32 @!p0 s25, s26  }
0x2a: {  	s23 =	sand.u32 @!p0 $0x4000, s23;
	s29 =	sor.u32 @!p0 $0x400, s29;
	s26 =	sadd.s32 @!p0 s24, s26  }
0x2b: {  	[tilespmem:s23], [sflag:$0x1] =	stream.strided.gather @!p0 [hbm4b:s26+s29], $0x1000, s30, s29, $0x38;
	[tilespmem:$0x10000] =	vst v63  }
0x2c: {  	s26 =	sadd.s32 @!p0 s28, s8  }
0x2d: {  	s26 =	sadd.s32 @!p0 s27, s26  }
0x2e: {  	s26 =	sadd.s32 @!p0 s25, s26  }
0x2f: {  	s31 =	sor.u32 @!p0 $0x1000, s23;
	s26 =	sadd.s32 @!p0 s24, s26  }
0x30: {  	[tilespmem:s31], [sflag:$0x1] =	stream.strided.gather @!p0 [hbm4b:s26+s29], $0x1000, s30, s29, $0x38;
	[tilespmem:$0x10000] =	vst v63  }
0x31: {  	s26 =	sadd.s32 @!p0 s28, s9  }
0x32: {  	s26 =	sadd.s32 @!p0 s27, s26  }
0x33: {  	s26 =	sadd.s32 @!p0 s25, s26  }
0x34: {  	s31 =	sor.u32 @!p0 $0x2000, s23;
	s26 =	sadd.s32 @!p0 s24, s26  }
0x35: {  	[tilespmem:s31], [sflag:$0x1] =	stream.strided.gather @!p0 [hbm4b:s26+s29], $0x1000, s30, s29, $0x38;
	[tilespmem:$0x10000] =	vst v63  }
0x36: {  	s26 =	sadd.s32 @!p0 s28, s10  }
0x37: {  	s26 =	sadd.s32 @!p0 s27, s26  }
0x38: {  	s25 =	sadd.s32 @!p0 s25, s26  }
0x39: {  	s23 =	sor.u32 @!p0 $0x3000, s23;
	s31 =	sadd.s32 $0xFFFFFFFF, s18;
	s24 =	sadd.s32 @!p0 s24, s25  }
0x3a: {  	[tilespmem:s23], [sflag:$0x1] =	stream.strided.gather @!p0 [hbm4b:s24+s29], $0x1000, s30, s29, $0x38;
	[tilespmem:$0x10000] =	vst v63  }
0x3b: {  	p0 =	sge.u32 s31, s6  }
.Ltmp2:
0x3c: {  	_ = 	snop;
	(pc) =	sbr.rel @p0 .LBB1_7-.Ltmp2, $1  }
0x3d: {  	_ =	sdelay $0x3  }
0x3e: {  	s23 =	sand.u32 $0x4000, s13  }
0x3f: {  	_ =	swait.ge [sflag:s5], $0x4000;
	s26 =	sshll.u32 s18, $0xE;
	s24 =	sor.u32 $0x70, s23  }
0x40: {  	s25 =	sor.u32 $0x8040, s23;
	[sflag:s5] =	ssyncset.done $0x0;
	s31 =	sand.u32 $0x4000, s26  }
0x41: {  	s26 =	simm.s32 $0x0;
	[sflag:s5] =	ssyncadd.s32 $0xFFFFC000;
	s23 =	sor.u32 $0x8000, s31  }
.LBB1_3:
0x42: {  	v1 =	vmov s24;
	_ =	sdelay $0x3  }
0x43: {  	s27 =	simm.s32 $0x0  }
0x44: {  	v7 =	vld.idx.msk [tilespmem:v1+s27+$0x0 ss:$0x1], $0xffff  }
0x45: {  	v0 =	vmov s25;
	v8 =	vld.idx.msk [tilespmem:v1+s27+$0xFFFFFF90 ss:$0x1], $0xffff  }
0x46: {  	v6 =	vld.idx.msk [tilespmem:v1+s27+$0xFFFFFFA0 ss:$0x1], $0xffff  }
0x47: {  	v5 =	vld.idx.msk [tilespmem:v1+s27+$0xFFFFFFB0 ss:$0x1], $0xffff  }
0x48: {  	v4 =	vld.idx.msk [tilespmem:v1+s27+$0xFFFFFFC0 ss:$0x1], $0xffff  }
0x49: {  	v2 =	vld.idx.msk [tilespmem:v1+s27+$0xFFFFFFD0 ss:$0x1], $0xffff  }
0x4a: {  	v3 =	vld.idx.msk [tilespmem:v1+s27+$0xFFFFFFE0 ss:$0x1], $0xffff;
	[tilespmem:v0+s27+$0x30 ss:$0x1] =	vst.idx.msk $0xffff, v7  }
0x4b: {  	s28 =	simm.s32 $0x80;
	s29 =	simm.s32 $0x400;
	[tilespmem:v0+s27+$0xFFFFFFC0 ss:$0x1] =	vst.idx.msk $0xffff, v8;
	v7 =	vld.idx.msk [tilespmem:v1+s27+$0xFFFFFFF0 ss:$0x1], $0xffff  }
.LBB1_4:
0x4c: {  	p0 =	sne.s32 s29, $0x3E00;
	v8 =	vld.idx.msk [tilespmem:v1+s28+$0x0 ss:$0x1], $0xffff;
	[tilespmem:v0+s27+$0xFFFFFFD0 ss:$0x1] =	vst.idx.msk $0xffff, v6  }
0x4d: {  	v9 =	vld.idx.msk [tilespmem:v1+s28+$0xFFFFFF90 ss:$0x1], $0xffff;
	[tilespmem:v0+s27+$0xFFFFFFE0 ss:$0x1] =	vst.idx.msk $0xffff, v5  }
0x4e: {  	v6 =	vld.idx.msk [tilespmem:v1+s28+$0xFFFFFFA0 ss:$0x1], $0xffff;
	[tilespmem:v0+s27+$0xFFFFFFF0 ss:$0x1] =	vst.idx.msk $0xffff, v4  }
.Ltmp3:
0x4f: {  	v5 =	vld.idx.msk [tilespmem:v1+s28+$0xFFFFFFB0 ss:$0x1], $0xffff;
	[tilespmem:v0+s27+$0x0 ss:$0x1] =	vst.idx.msk $0xffff, v2;
	(pc) =	sbr.rel @p0 .LBB1_4-.Ltmp3, $4  }
0x50: {  	v4 =	vld.idx.msk [tilespmem:v1+s28+$0xFFFFFFC0 ss:$0x1], $0xffff;
	[tilespmem:v0+s27+$0x10 ss:$0x1] =	vst.idx.msk $0xffff, v3  }
0x51: {  	v2 =	vld.idx.msk [tilespmem:v1+s28+$0xFFFFFFD0 ss:$0x1], $0xffff;
	[tilespmem:v0+s27+$0x20 ss:$0x1] =	vst.idx.msk $0xffff, v7;
	s27 =	smov.u32 s28  }
0x52: {  	v3 =	vld.idx.msk [tilespmem:v1+s27+$0xFFFFFFE0 ss:$0x1], $0xffff;
	[tilespmem:v0+s27+$0x30 ss:$0x1] =	vst.idx.msk $0xffff, v8  }
0x53: {  	s28 =	sshra.s32 s29, $0x2;
	s29 =	sadd.s32 $0x200, s29;
	[tilespmem:v0+s27+$0xFFFFFFC0 ss:$0x1] =	vst.idx.msk $0xffff, v9;
	v7 =	vld.idx.msk [tilespmem:v1+s27+$0xFFFFFFF0 ss:$0x1], $0xffff  }
0x54: {  	_ =	sdelay $0x3  }
0x55: {  	[tilespmem:v0+s27+$0xFFFFFFD0 ss:$0x1] =	vst.idx.msk $0xffff, v6  }
0x56: {  	v56 =	vld.idx.msk [tilespmem:v1+s28+$0x0 ss:$0x1], $0xffff;
	[tilespmem:v0+s27+$0xFFFFFFE0 ss:$0x1] =	vst.idx.msk $0xffff, v5  }
0x57: {  	v57 =	vld.idx.msk [tilespmem:v1+s28+$0xFFFFFF90 ss:$0x1], $0xffff;
	[tilespmem:v0+s27+$0xFFFFFFF0 ss:$0x1] =	vst.idx.msk $0xffff, v4  }
0x58: {  	v58 =	vld.idx.msk [tilespmem:v1+s28+$0xFFFFFFA0 ss:$0x1], $0xffff;
	[tilespmem:v0+s27+$0x0 ss:$0x1] =	vst.idx.msk $0xffff, v2  }
0x59: {  	v59 =	vld.idx.msk [tilespmem:v1+s28+$0xFFFFFFB0 ss:$0x1], $0xffff;
	[tilespmem:v0+s27+$0x10 ss:$0x1] =	vst.idx.msk $0xffff, v3  }
0x5a: {  	v60 =	vld.idx.msk [tilespmem:v1+s28+$0xFFFFFFC0 ss:$0x1], $0xffff;
	[tilespmem:v0+s27+$0x20 ss:$0x1] =	vst.idx.msk $0xffff, v7  }
0x5b: {  	v61 =	vld.idx.msk [tilespmem:v1+s28+$0xFFFFFFD0 ss:$0x1], $0xffff;
	[tilespmem:v0+s28+$0x30 ss:$0x1] =	vst.idx.msk $0xffff, v56  }
0x5c: {  	v62 =	vld.idx.msk [tilespmem:v1+s28+$0xFFFFFFE0 ss:$0x1], $0xffff;
	s26 =	sadd.s32 $0x1, s26;
	[tilespmem:v0+s28+$0xFFFFFFC0 ss:$0x1] =	vst.idx.msk $0xffff, v57  }
0x5d: {  	v63 =	vld.idx.msk [tilespmem:v1+s28+$0xFFFFFFF0 ss:$0x1], $0xffff;
	p0 =	sne.s32 s26, $0x4;
	[tilespmem:v0+s28+$0xFFFFFFD0 ss:$0x1] =	vst.idx.msk $0xffff, v58  }
.Ltmp4:
0x5e: {  	[tilespmem:v0+s28+$0xFFFFFFE0 ss:$0x1] =	vst.idx.msk $0xffff, v59;
	(pc) =	sbr.rel @p0 .LBB1_3-.Ltmp4, $4  }
0x5f: {  	[tilespmem:v0+s28+$0xFFFFFFF0 ss:$0x1] =	vst.idx.msk $0xffff, v60  }
0x60: {  	[tilespmem:v0+s28+$0x0 ss:$0x1] =	vst.idx.msk $0xffff, v61  }
0x61: {  	[tilespmem:v0+s28+$0x10 ss:$0x1] =	vst.idx.msk $0xffff, v62  }
0x62: {  	s24 =	sadd.s32 $0x1000, s24;
	s25 =	sadd.s32 $0x1000, s25;
	[tilespmem:v0+s28+$0x20 ss:$0x1] =	vst.idx.msk $0xffff, v63  }
0x63: {  	s22 =	sshll.u32 s22, $0x7;
	s24 =	sand.u32 $0x78, s19;
	s25 =	sshll.u32 s19, $0x2  }
0x64: {  	s21 =	sshll.u32 s21, $0x10;
	s20 =	sshll.u32 s20, $0xB;
	s29 =	sshrl.u32 s19, $0x1  }
0x65: {  	s30 =	sand.u32 $0x7, s19;
	s22 =	sand.u32 $0x180, s22;
	s25 =	sand.u32 $0xE00, s25  }
.Ltmp5:
0x66: {  	s21 =	sadd.s32 s7, s21;
	s22 =	sor.u32 s22, s24;
	(pc) =	sbr.rel .LBB1_7-.Ltmp5, $4  }
0x67: {  	s24 =	sand.u32 $0x600, s29;
	s20 =	sadd.s32 s20, s21;
	s22 =	sor.u32 s25, s22  }
0x68: {  	s19 =	sshll.u32 s30, $0x12;
	s20 =	sadd.s32 s24, s20;
	s31 =	sshrl.u32 s22, $0x3  }
0x69: {  	s19 =	sor.u32 $0x80, s19;
	s20 =	sadd.s32 s31, s20  }
0x6a: {  	[hbm4b:s20+s19] =	stream.strided.scatter [tilespmem:s23], [sflag:$0x2], $0x4000, s12, s19, $0x38;
	[tilespmem:$0x10000] =	vst v63  }
.LBB1_8:
0x6b: {  	_ =	sfence.sel $0x180000  }
0x6c: {  	s1 =	simm.s32 $0x1;
	[bflag:$0x0] =	sbarrier.arrive $0xFFFF  }
0x6d: {  	s31 =	simm.s32 $0x2;
	[sflag:s1] =	ssyncpa.u1 $0x1  }
0x6e: {  	[sflag:s31] =	ssyncpa.u1 $0x1  }
0x6f: {  	p0 =	sne.s32 s0, $0x0;
	_ =	strace $0x90000047  }
0x70: {  	s0 =	sadd.s32 @!p0 $0x100000, s4;
	[bflag:$0x2] =	sbarrier.arrive $0xFFFF  }
0x71: {  	[sflag:s0] =	ssyncadd.tile.s32 @!p0 $0x1;
	_ =	shalt  }
.Lfunc_end1:
_tile_overlayer_lowered:
.L_overlay_start_2:
0x72: {  	(tag) =	ssettag $0x2  }
0x73: {  	s0 =	rddreg [dreg:$0x0];
	s2 =	stileid.u32  }
0x74: {  	s1 =	rddreg [dreg:$0x1];
	p0 =	sne.s32 s2, $0x0  }
0x75: {  	s3 =	rddreg [dreg:$0x2];
	[bflag:$0x3] =	sbarrier.arrive $0xFFFF;
	s2 =	simm.s32 @!p0 $0x1C01  }
0x76: {  	[timem:s3], [sflag:s2] =	dma.local @!p0 [hbm:s0], s1  }
0x77: {  	s0 =	simm.s32 @!p0 $0x1  }
0x78: {  	_ =	swait.ge @!p0 [sflag:s0], s1  }
0x79: {  	s1 =	ssub.s32 @!p0 $0x0, s1;
	[sflag:s0] =	ssyncset.done @!p0 $0x0  }
0x7a: {  	[sflag:s0] =	ssyncadd.s32 @!p0 s1  }
0x7b: {  	[bflag:$0x3] =	sbarrier.arrive $0xFFFF  }
0x7c: {  	_ =	shalt  }

</sc_bundles>
